<compile_context>
chip_gen: v7x
topology: tpu7x:2x2x1
jax: 0.10.2.dev20260603
libtpu: 0.0.44.dev20260713+nightly
codegen_flags: <defaults>
</compile_context>

<pallas_src>
import functools

import jax
import jax.numpy as jnp
from jax import lax
from jax.experimental import pallas as pl
from jax.experimental.pallas import tpu as pltpu
from jax.experimental.pallas import tpu_sc as plsc


def _sc_gather_body(tidx_hbm, table_hbm, out_hbm, tidx_row, tile_v, sem):
    wid = lax.axis_index("s") * 2 + lax.axis_index("c")
    pltpu.sync_copy(tidx_hbm.at[pl.ds(wid, 1), :], tidx_row)
    t = jnp.reshape(tidx_row[...], (tidx_row.shape[1],))[0]
    pltpu.make_async_copy(
        table_hbm.at[pl.ds(t * 8, 8), :], tile_v, sem).start()
    pltpu.make_async_copy(
        table_hbm.at[pl.ds(0, 8), :], tile_v, sem).wait()
    pltpu.sync_copy(tile_v, out_hbm.at[pl.ds(wid * 8, 8), :])


def _matmul_body(sub_ref, xt_ref, wlo_ref, whi_ref, b_ref, out_ref, x2_ref):
    j = pl.program_id(0)
    n = xt_ref.shape[0] // 8
    d = xt_ref.shape[1]
    bv = wlo_ref.shape[0]

    @pl.when(j == 0)
    def _build_x2():
        x2_ref[...] = jnp.zeros_like(x2_ref)
        for i in range(n):
            row = xt_ref[pl.ds(i * 8 + sub_ref[i], 1), :].astype(jnp.bfloat16)
            x2_ref[pl.ds(i, 1), pl.ds(0, d)] = row
            x2_ref[pl.ds(n + i, 1), pl.ds(d, d)] = row

    w2 = jnp.concatenate([wlo_ref[...], whi_ref[...]], axis=1)
    res = jax.lax.dot_general(
        x2_ref[...], w2,
        dimension_numbers=(((1,), (1,)), ((), ())),
        preferred_element_type=jnp.float32,
    )
    out_ref[:, 0, pl.ds(0, bv)] = res[:n] + b_ref[pl.ds(0, bv)][None, :]
    out_ref[:, 0, pl.ds(bv, bv)] = res[n:] + b_ref[pl.ds(bv, bv)][None, :]


def kernel(trg, enc_src, trg_mask, src_mask, emb_table, W, b):
    Bb, L = trg.shape
    V, D = emb_table.shape
    idx = trg.reshape(-1).astype(jnp.int32)
    n = idx.shape[0]
    tidx_rep = jnp.broadcast_to((idx // 8)[:, None], (n, 16))
    sub = idx % 8

    gather = functools.partial(
        pl.kernel,
        out_type=jax.ShapeDtypeStruct((n * 8, D), jnp.float32),
        mesh=plsc.VectorSubcoreMesh(core_axis_name="c", subcore_axis_name="s"),
        scratch_types=[
            pltpu.VMEM((1, 16), jnp.int32),
            pltpu.VMEM((8, D), jnp.float32),
            pltpu.SemaphoreType.DMA,
        ],
        compiler_params=pltpu.CompilerParams(use_tc_tiling_on_sc=True),
    )(_sc_gather_body)
    xt = gather(tidx_rep, emb_table)

    Wbf = W.astype(jnp.bfloat16)

    BV = 8192
    nv = pl.cdiv(V, 2 * BV)
    nbw = pl.cdiv(V, BV)
    out = pl.pallas_call(
        _matmul_body,
        grid_spec=pltpu.PrefetchScalarGridSpec(
            num_scalar_prefetch=1,
            grid=(nv,),
            in_specs=[
                pl.BlockSpec((n * 8, D), lambda j, sub_ref: (0, 0)),
                pl.BlockSpec((BV, D), lambda j, sub_ref: (2 * j, 0)),
                pl.BlockSpec(
                    (BV, D),
                    lambda j, sub_ref: (jnp.minimum(2 * j + 1, nbw - 1), 0)),
                pl.BlockSpec((2 * BV,), lambda j, sub_ref: (j,)),
            ],
            out_specs=pl.BlockSpec((n, 1, 2 * BV),
                                   lambda j, sub_ref: (0, 0, j)),
            scratch_shapes=[
                pltpu.VMEM((2 * n, 2 * D), jnp.bfloat16),
            ],
        ),
        out_shape=jax.ShapeDtypeStruct((n, 1, V), jnp.float32),
        compiler_params=pltpu.CompilerParams(
            dimension_semantics=("arbitrary",),
        ),
    )(sub, xt, Wbf, Wbf, b)
    return out.reshape(Bb, L, V)

# --- scband reference (transcript-rebuilt; emitter-appended) ---
"""Pipeline reference for scband-mock-decoder-57320633532629 (READ-ONLY COPY).

The authoritative reference and input builder live on the scoring server;
editing this copy changes nothing except your own understanding.
"""

import jax, jax.numpy as jnp
import numpy as np

B, L, D, V = 32, 1, 64, 1000000

def setup_inputs(seed: int = 0) -> dict:
    key = jax.random.key(seed)
    k1, k2, k3, k4 = jax.random.split(key, 4)
    trg = jax.random.randint(k1, (B, L), 0, V)
    enc_src = jax.random.normal(k2, (B, L, D), dtype=jnp.float32)
    trg_mask = jnp.ones((B, L), dtype=bool)
    src_mask = jnp.ones((B, L), dtype=bool)
    emb_table = jax.random.normal(k3, (V, D), dtype=jnp.float32) * 0.02
    W = jax.random.normal(k4, (V, D), dtype=jnp.float32) * 0.02
    b = jnp.zeros((V,), dtype=jnp.float32)
    return {"trg": trg, "enc_src": enc_src, "trg_mask": trg_mask, "src_mask": src_mask,
            "emb_table": emb_table, "W": W, "b": b}

def reference(trg, enc_src, trg_mask, src_mask, emb_table, W, b):
    # x = self.embedding(trg)
    x = jnp.take(emb_table, trg, axis=0)  # [B, L, D]
    # output = self.linear(x)  (torch Linear: y = x @ W.T + b, W: [V, D])
    out = jnp.einsum('bld,vd->blv', x, W) + b  # [B, L, V]
    return out

if __name__ == "__main__":
    import jax
    _d = setup_inputs()
    print(jax.jit(kernel)(*tuple(_d.values())))

</pallas_src>

<mosaic_0001>
#map = affine_map<(d0, d1) -> (0, 0)>
module attributes {stable_mosaic.version = 14 : i64} {
  func.func @_sc_gather_body(%arg0: i32, %arg1: i32, %arg2: memref<32x16xi32, #tpu.memory_space<hbm>>, %arg3: memref<1000000x64xf32, #tpu.memory_space<hbm>>, %arg4: memref<256x64xf32, #tpu.memory_space<hbm>>, %arg5: memref<1x16xi32, #tpu.memory_space<vmem>>, %arg6: memref<8x64xf32, #tpu.memory_space<vmem>>, %arg7: memref<!tpu.dma_semaphore, #tpu.memory_space<semaphore_mem>>) attributes {dimension_semantics = [#tpu.dimension_semantics<core_parallel>, #tpu.dimension_semantics<subcore_parallel>], iteration_bounds = array<i64: 2, 16>, scalar_prefetch = 0 : i64, scratch_operands = 3 : i64, tpu.core_type = #tpu.core_type<sc_vector_subcore>, window_params = [{transform_indices = #map}, {transform_indices = #map}, {transform_indices = #map}]} {
    %mul3A = arith.constant 2 : i32
    %mul3A_0 = arith.muli %arg1, %mul3A : i32
    %add3A = arith.addi %mul3A_0, %arg0 : i32
    "tpu.region"() ({
      %run_scoped3A = tpu.sem_alloc : memref<!tpu.dma_semaphore, #tpu.memory_space<semaphore_mem>>
      %dma_start3A_16 = arith.constant 0 : i32
      %dma_start3A_17 = tpu.memref_slice %arg2[%add3A, %dma_start3A_16] : memref<32x16xi32, #tpu.memory_space<hbm>> -> memref<1x16xi32, #tpu.memory_space<hbm>>
      %dma_start3A_18 = arith.constant 0 : i32
      %dma_start3A_19 = tpu.memref_slice %arg2[%add3A, %dma_start3A_18] : memref<32x16xi32, #tpu.memory_space<hbm>> -> memref<1x16xi32, #tpu.memory_space<hbm>>
      tpu.enqueue_dma source(%dma_start3A_19 : memref<1x16xi32, #tpu.memory_space<hbm>>) target(%arg5 : memref<1x16xi32, #tpu.memory_space<vmem>>) target_semaphore(%run_scoped3A : memref<!tpu.dma_semaphore, #tpu.memory_space<semaphore_mem>>)
      %dma_wait3A_20 = arith.constant 0 : i32
      %dma_wait3A_21 = tpu.memref_slice %arg2[%add3A, %dma_wait3A_20] : memref<32x16xi32, #tpu.memory_space<hbm>> -> memref<1x16xi32, #tpu.memory_space<hbm>>
      %dma_wait3A_22 = arith.constant 0 : i32
      %dma_wait3A_23 = tpu.memref_slice %arg2[%add3A, %dma_wait3A_22] : memref<32x16xi32, #tpu.memory_space<hbm>> -> memref<1x16xi32, #tpu.memory_space<hbm>>
      tpu.wait_dma2 semaphore(%run_scoped3A : memref<!tpu.dma_semaphore, #tpu.memory_space<semaphore_mem>>) src(%dma_wait3A_23 : memref<1x16xi32, #tpu.memory_space<hbm>>) dst(%arg5 : memref<1x16xi32, #tpu.memory_space<vmem>>)
      tpu.yield
    }) : () -> ()
    %get3A = arith.constant 0 : index
    %get3A_1 = arith.constant 0 : index
    %get3A_2 = tpu.vector_load %arg5[%get3A, %get3A_1] {strides = array<i32>} : memref<1x16xi32, #tpu.memory_space<vmem>>, vector<1x16xi32>,
    %get3A_3 = vector.shape_cast %get3A_2 : vector<1x16xi32> to vector<1x16xi32>
    %reshape3A = vector.shape_cast %get3A_3 : vector<1x16xi32> to vector<16xi32>
    %slice3A = vector.extract_strided_slice %reshape3A {offsets = [0], sizes = [1], strides = [1]} : vector<16xi32> to vector<1xi32>
    %squeeze3A = vector.extract %slice3A[0] : i32 from vector<1xi32>
    %mul3A_4 = arith.constant 8 : i32
    %mul3A_5 = arith.muli %squeeze3A, %mul3A_4 : i32
    %dma_start3A = arith.constant 0 : i32
    %dma_start3A_6 = tpu.memref_slice %arg3[%mul3A_5, %dma_start3A] : memref<1000000x64xf32, #tpu.memory_space<hbm>> -> memref<8x64xf32, #tpu.memory_space<hbm>>
    %dma_start3A_7 = arith.constant 0 : i32
    %dma_start3A_8 = tpu.memref_slice %arg3[%mul3A_5, %dma_start3A_7] : memref<1000000x64xf32, #tpu.memory_space<hbm>> -> memref<8x64xf32, #tpu.memory_space<hbm>>
    tpu.enqueue_dma source(%dma_start3A_8 : memref<8x64xf32, #tpu.memory_space<hbm>>) target(%arg6 : memref<8x64xf32, #tpu.memory_space<vmem>>) target_semaphore(%arg7 : memref<!tpu.dma_semaphore, #tpu.memory_space<semaphore_mem>>)
    %dma_wait3A = arith.constant 0 : i32
    %dma_wait3A_9 = arith.constant 0 : i32
    %dma_wait3A_10 = tpu.memref_slice %arg3[%dma_wait3A, %dma_wait3A_9] : memref<1000000x64xf32, #tpu.memory_space<hbm>> -> memref<8x64xf32, #tpu.memory_space<hbm>>
    %dma_wait3A_11 = arith.constant 0 : i32
    %dma_wait3A_12 = arith.constant 0 : i32
    %dma_wait3A_13 = tpu.memref_slice %arg3[%dma_wait3A_11, %dma_wait3A_12] : memref<1000000x64xf32, #tpu.memory_space<hbm>> -> memref<8x64xf32, #tpu.memory_space<hbm>>
    tpu.wait_dma2 semaphore(%arg7 : memref<!tpu.dma_semaphore, #tpu.memory_space<semaphore_mem>>) src(%dma_wait3A_13 : memref<8x64xf32, #tpu.memory_space<hbm>>) dst(%arg6 : memref<8x64xf32, #tpu.memory_space<vmem>>)
    %mul3A_14 = arith.constant 8 : i32
    %mul3A_15 = arith.muli %add3A, %mul3A_14 : i32
    "tpu.region"() ({
      %run_scoped3A = tpu.sem_alloc : memref<!tpu.dma_semaphore, #tpu.memory_space<semaphore_mem>>
      %dma_start3A_16 = arith.constant 0 : i32
      %dma_start3A_17 = tpu.memref_slice %arg4[%mul3A_15, %dma_start3A_16] : memref<256x64xf32, #tpu.memory_space<hbm>> -> memref<8x64xf32, #tpu.memory_space<hbm>>
      %dma_start3A_18 = arith.constant 0 : i32
      %dma_start3A_19 = tpu.memref_slice %arg4[%mul3A_15, %dma_start3A_18] : memref<256x64xf32, #tpu.memory_space<hbm>> -> memref<8x64xf32, #tpu.memory_space<hbm>>
      tpu.enqueue_dma source(%arg6 : memref<8x64xf32, #tpu.memory_space<vmem>>) target(%dma_start3A_19 : memref<8x64xf32, #tpu.memory_space<hbm>>) target_semaphore(%run_scoped3A : memref<!tpu.dma_semaphore, #tpu.memory_space<semaphore_mem>>)
      %dma_wait3A_20 = arith.constant 0 : i32
      %dma_wait3A_21 = tpu.memref_slice %arg4[%mul3A_15, %dma_wait3A_20] : memref<256x64xf32, #tpu.memory_space<hbm>> -> memref<8x64xf32, #tpu.memory_space<hbm>>
      %dma_wait3A_22 = arith.constant 0 : i32
      %dma_wait3A_23 = tpu.memref_slice %arg4[%mul3A_15, %dma_wait3A_22] : memref<256x64xf32, #tpu.memory_space<hbm>> -> memref<8x64xf32, #tpu.memory_space<hbm>>
      tpu.wait_dma2 semaphore(%run_scoped3A : memref<!tpu.dma_semaphore, #tpu.memory_space<semaphore_mem>>) src(%arg6 : memref<8x64xf32, #tpu.memory_space<vmem>>) dst(%dma_wait3A_23 : memref<8x64xf32, #tpu.memory_space<hbm>>)
      tpu.yield
    }) : () -> ()
    return
  }
}

module attributes {stable_mosaic.version = 14 : i64} {
  func.func @_matmul_body(%arg0: i32, %arg1: memref<32xi32, #tpu.memory_space<smem>>, %arg2: memref<256x64xf32, #tpu.memory_space<vmem>>, %arg3: memref<8192x64xbf16, #tpu.memory_space<vmem>>, %arg4: memref<8192x64xbf16, #tpu.memory_space<vmem>>, %arg5: memref<16384xf32, #tpu.memory_space<vmem>>, %arg6: memref<32x1x16384xf32, #tpu.memory_space<vmem>>, %arg7: memref<64x128xbf16, #tpu.memory_space<vmem>>) attributes {dimension_semantics = [#tpu.dimension_semantics<arbitrary>], iteration_bounds = array<i64: 62>, scalar_prefetch = 1 : i64, scratch_operands = 1 : i64, tpu.core_type = #tpu.core_type<tc>, window_params = [{pipeline_mode = #tpu.pipeline_mode<synchronous>, transform_indices = @transform_0, window_bounds = array<i64: 256, 64>}, {transform_indices = @transform_1, window_bounds = array<i64: 8192, 64>}, {transform_indices = @transform_2, window_bounds = array<i64: 8192, 64>}, {transform_indices = @transform_3, window_bounds = array<i64: 16384>}, {transform_indices = @transform_4, window_bounds = array<i64: 32, 1, 16384>}]} {
    %eq3A = arith.constant 0 : i32
    %eq3A_0 = arith.cmpi eq, %arg0, %eq3A : i32
    %convert_element_type3A = arith.extui %eq3A_0 : i1 to i32
    %cond3A = arith.constant 0 : i32
    %cond3A_1 = arith.cmpi ne, %convert_element_type3A, %cond3A : i32
    scf.if %cond3A_1 {
      %broadcast_in_dim3A_31 = arith.constant 0.000000e+00 : bf16
      %broadcast_in_dim3A_32 = vector.broadcast %broadcast_in_dim3A_31 : bf16 to vector<64x128xbf16>
      %swap3A_33 = arith.constant 0 : index
      %swap3A_34 = arith.constant 0 : index
      %swap3A_35 = vector.load %arg7[%swap3A_33, %swap3A_34] : memref<64x128xbf16, #tpu.memory_space<vmem>>, vector<64x128xbf16>
      tpu.vector_store %arg7[%swap3A_33, %swap3A_34], %broadcast_in_dim3A_32 {strides = array<i32>} : memref<64x128xbf16, #tpu.memory_space<vmem>>, vector<64x128xbf16>,
      %get3A_36 = arith.constant 0 : index
      %get3A_37 = memref.load %arg1[%get3A_36] : memref<32xi32, #tpu.memory_space<smem>>
      %add3A_38 = arith.constant 0 : i32
      %add3A_39 = arith.addi %add3A_38, %get3A_37 : i32
      %get3A_40 = arith.index_cast %add3A_39 : i32 to index
      %get3A_41 = arith.constant 0 : index
      %get3A_42 = vector.load %arg2[%get3A_40, %get3A_41] : memref<256x64xf32, #tpu.memory_space<vmem>>, vector<1x64xf32>
      %convert_element_type3A_43 = arith.truncf %get3A_42 : vector<1x64xf32> to vector<1x64xbf16>
      %swap3A_44 = arith.constant 0 : index
      %swap3A_45 = arith.constant 0 : index
      %swap3A_46 = vector.load %arg7[%swap3A_44, %swap3A_45] : memref<64x128xbf16, #tpu.memory_space<vmem>>, vector<1x64xbf16>
      tpu.vector_store %arg7[%swap3A_44, %swap3A_45], %convert_element_type3A_43 {strides = array<i32>} : memref<64x128xbf16, #tpu.memory_space<vmem>>, vector<1x64xbf16>,
      %swap3A_47 = arith.constant 32 : index
      %swap3A_48 = arith.constant 64 : index
      %swap3A_49 = vector.load %arg7[%swap3A_47, %swap3A_48] : memref<64x128xbf16, #tpu.memory_space<vmem>>, vector<1x64xbf16>
      tpu.vector_store %arg7[%swap3A_47, %swap3A_48], %convert_element_type3A_43 {strides = array<i32>} : memref<64x128xbf16, #tpu.memory_space<vmem>>, vector<1x64xbf16>,
      %get3A_50 = arith.constant 1 : index
      %get3A_51 = memref.load %arg1[%get3A_50] : memref<32xi32, #tpu.memory_space<smem>>
      %add3A_52 = arith.constant 8 : i32
      %add3A_53 = arith.addi %add3A_52, %get3A_51 : i32
      %get3A_54 = arith.index_cast %add3A_53 : i32 to index
      %get3A_55 = arith.constant 0 : index
      %get3A_56 = vector.load %arg2[%get3A_54, %get3A_55] : memref<256x64xf32, #tpu.memory_space<vmem>>, vector<1x64xf32>
      %convert_element_type3A_57 = arith.truncf %get3A_56 : vector<1x64xf32> to vector<1x64xbf16>
      %swap3A_58 = arith.constant 1 : index
      %swap3A_59 = arith.constant 0 : index
      %swap3A_60 = vector.load %arg7[%swap3A_58, %swap3A_59] : memref<64x128xbf16, #tpu.memory_space<vmem>>, vector<1x64xbf16>
      tpu.vector_store %arg7[%swap3A_58, %swap3A_59], %convert_element_type3A_57 {strides = array<i32>} : memref<64x128xbf16, #tpu.memory_space<vmem>>, vector<1x64xbf16>,
      %swap3A_61 = arith.constant 33 : index
      %swap3A_62 = arith.constant 64 : index
      %swap3A_63 = vector.load %arg7[%swap3A_61, %swap3A_62] : memref<64x128xbf16, #tpu.memory_space<vmem>>, vector<1x64xbf16>
      tpu.vector_store %arg7[%swap3A_61, %swap3A_62], %convert_element_type3A_57 {strides = array<i32>} : memref<64x128xbf16, #tpu.memory_space<vmem>>, vector<1x64xbf16>,
      %get3A_64 = arith.constant 2 : index
      %get3A_65 = memref.load %arg1[%get3A_64] : memref<32xi32, #tpu.memory_space<smem>>
      %add3A_66 = arith.constant 16 : i32
      %add3A_67 = arith.addi %add3A_66, %get3A_65 : i32
      %get3A_68 = arith.index_cast %add3A_67 : i32 to index
      %get3A_69 = arith.constant 0 : index
      %get3A_70 = vector.load %arg2[%get3A_68, %get3A_69] : memref<256x64xf32, #tpu.memory_space<vmem>>, vector<1x64xf32>
      %convert_element_type3A_71 = arith.truncf %get3A_70 : vector<1x64xf32> to vector<1x64xbf16>
      %swap3A_72 = arith.constant 2 : index
      %swap3A_73 = arith.constant 0 : index
      %swap3A_74 = vector.load %arg7[%swap3A_72, %swap3A_73] : memref<64x128xbf16, #tpu.memory_space<vmem>>, vector<1x64xbf16>
      tpu.vector_store %arg7[%swap3A_72, %swap3A_73], %convert_element_type3A_71 {strides = array<i32>} : memref<64x128xbf16, #tpu.memory_space<vmem>>, vector<1x64xbf16>,
      %swap3A_75 = arith.constant 34 : index
      %swap3A_76 = arith.constant 64 : index
      %swap3A_77 = vector.load %arg7[%swap3A_75, %swap3A_76] : memref<64x128xbf16, #tpu.memory_space<vmem>>, vector<1x64xbf16>
      tpu.vector_store %arg7[%swap3A_75, %swap3A_76], %convert_element_type3A_71 {strides = array<i32>} : memref<64x128xbf16, #tpu.memory_space<vmem>>, vector<1x64xbf16>,
      %get3A_78 = arith.constant 3 : index
      %get3A_79 = memref.load %arg1[%get3A_78] : memref<32xi32, #tpu.memory_space<smem>>
      %add3A_80 = arith.constant 24 : i32
      %add3A_81 = arith.addi %add3A_80, %get3A_79 : i32
      %get3A_82 = arith.index_cast %add3A_81 : i32 to index
      %get3A_83 = arith.constant 0 : index
      %get3A_84 = vector.load %arg2[%get3A_82, %get3A_83] : memref<256x64xf32, #tpu.memory_space<vmem>>, vector<1x64xf32>
      %convert_element_type3A_85 = arith.truncf %get3A_84 : vector<1x64xf32> to vector<1x64xbf16>
      %swap3A_86 = arith.constant 3 : index
      %swap3A_87 = arith.constant 0 : index
      %swap3A_88 = vector.load %arg7[%swap3A_86, %swap3A_87] : memref<64x128xbf16, #tpu.memory_space<vmem>>, vector<1x64xbf16>
      tpu.vector_store %arg7[%swap3A_86, %swap3A_87], %convert_element_type3A_85 {strides = array<i32>} : memref<64x128xbf16, #tpu.memory_space<vmem>>, vector<1x64xbf16>,
      %swap3A_89 = arith.constant 35 : index
      %swap3A_90 = arith.constant 64 : index
      %swap3A_91 = vector.load %arg7[%swap3A_89, %swap3A_90] : memref<64x128xbf16, #tpu.memory_space<vmem>>, vector<1x64xbf16>
      tpu.vector_store %arg7[%swap3A_89, %swap3A_90], %convert_element_type3A_85 {strides = array<i32>} : memref<64x128xbf16, #tpu.memory_space<vmem>>, vector<1x64xbf16>,
      %get3A_92 = arith.constant 4 : index
      %get3A_93 = memref.load %arg1[%get3A_92] : memref<32xi32, #tpu.memory_space<smem>>
      %add3A_94 = arith.constant 32 : i32
      %add3A_95 = arith.addi %add3A_94, %get3A_93 : i32
      %get3A_96 = arith.index_cast %add3A_95 : i32 to index
      %get3A_97 = arith.constant 0 : index
      %get3A_98 = vector.load %arg2[%get3A_96, %get3A_97] : memref<256x64xf32, #tpu.memory_space<vmem>>, vector<1x64xf32>
      %convert_element_type3A_99 = arith.truncf %get3A_98 : vector<1x64xf32> to vector<1x64xbf16>
      %swap3A_100 = arith.constant 4 : index
      %swap3A_101 = arith.constant 0 : index
      %swap3A_102 = vector.load %arg7[%swap3A_100, %swap3A_101] : memref<64x128xbf16, #tpu.memory_space<vmem>>, vector<1x64xbf16>
      tpu.vector_store %arg7[%swap3A_100, %swap3A_101], %convert_element_type3A_99 {strides = array<i32>} : memref<64x128xbf16, #tpu.memory_space<vmem>>, vector<1x64xbf16>,
      %swap3A_103 = arith.constant 36 : index
      %swap3A_104 = arith.constant 64 : index
      %swap3A_105 = vector.load %arg7[%swap3A_103, %swap3A_104] : memref<64x128xbf16, #tpu.memory_space<vmem>>, vector<1x64xbf16>
      tpu.vector_store %arg7[%swap3A_103, %swap3A_104], %convert_element_type3A_99 {strides = array<i32>} : memref<64x128xbf16, #tpu.memory_space<vmem>>, vector<1x64xbf16>,
      %get3A_106 = arith.constant 5 : index
      %get3A_107 = memref.load %arg1[%get3A_106] : memref<32xi32, #tpu.memory_space<smem>>
      %add3A_108 = arith.constant 40 : i32
      %add3A_109 = arith.addi %add3A_108, %get3A_107 : i32
      %get3A_110 = arith.index_cast %add3A_109 : i32 to index
      %get3A_111 = arith.constant 0 : index
      %get3A_112 = vector.load %arg2[%get3A_110, %get3A_111] : memref<256x64xf32, #tpu.memory_space<vmem>>, vector<1x64xf32>
      %convert_element_type3A_113 = arith.truncf %get3A_112 : vector<1x64xf32> to vector<1x64xbf16>
      %swap3A_114 = arith.constant 5 : index
      %swap3A_115 = arith.constant 0 : index
      %swap3A_116 = vector.load %arg7[%swap3A_114, %swap3A_115] : memref<64x128xbf16, #tpu.memory_space<vmem>>, vector<1x64xbf16>
      tpu.vector_store %arg7[%swap3A_114, %swap3A_115], %convert_element_type3A_113 {strides = array<i32>} : memref<64x128xbf16, #tpu.memory_space<vmem>>, vector<1x64xbf16>,
      %swap3A_117 = arith.constant 37 : index
      %swap3A_118 = arith.constant 64 : index
      %swap3A_119 = vector.load %arg7[%swap3A_117, %swap3A_118] : memref<64x128xbf16, #tpu.memory_space<vmem>>, vector<1x64xbf16>
      tpu.vector_store %arg7[%swap3A_117, %swap3A_118], %convert_element_type3A_113 {strides = array<i32>} : memref<64x128xbf16, #tpu.memory_space<vmem>>, vector<1x64xbf16>,
      %get3A_120 = arith.constant 6 : index
      %get3A_121 = memref.load %arg1[%get3A_120] : memref<32xi32, #tpu.memory_space<smem>>
      %add3A_122 = arith.constant 48 : i32
      %add3A_123 = arith.addi %add3A_122, %get3A_121 : i32
      %get3A_124 = arith.index_cast %add3A_123 : i32 to index
      %get3A_125 = arith.constant 0 : index
      %get3A_126 = vector.load %arg2[%get3A_124, %get3A_125] : memref<256x64xf32, #tpu.memory_space<vmem>>, vector<1x64xf32>
      %convert_element_type3A_127 = arith.truncf %get3A_126 : vector<1x64xf32> to vector<1x64xbf16>
      %swap3A_128 = arith.constant 6 : index
      %swap3A_129 = arith.constant 0 : index
      %swap3A_130 = vector.load %arg7[%swap3A_128, %swap3A_129] : memref<64x128xbf16, #tpu.memory_space<vmem>>, vector<1x64xbf16>
      tpu.vector_store %arg7[%swap3A_128, %swap3A_129], %convert_element_type3A_127 {strides = array<i32>} : memref<64x128xbf16, #tpu.memory_space<vmem>>, vector<1x64xbf16>,
      %swap3A_131 = arith.constant 38 : index
      %swap3A_132 = arith.constant 64 : index
      %swap3A_133 = vector.load %arg7[%swap3A_131, %swap3A_132] : memref<64x128xbf16, #tpu.memory_space<vmem>>, vector<1x64xbf16>
      tpu.vector_store %arg7[%swap3A_131, %swap3A_132], %convert_element_type3A_127 {strides = array<i32>} : memref<64x128xbf16, #tpu.memory_space<vmem>>, vector<1x64xbf16>,
      %get3A_134 = arith.constant 7 : index
      %get3A_135 = memref.load %arg1[%get3A_134] : memref<32xi32, #tpu.memory_space<smem>>
      %add3A_136 = arith.constant 56 : i32
      %add3A_137 = arith.addi %add3A_136, %get3A_135 : i32
      %get3A_138 = arith.index_cast %add3A_137 : i32 to index
      %get3A_139 = arith.constant 0 : index
      %get3A_140 = vector.load %arg2[%get3A_138, %get3A_139] : memref<256x64xf32, #tpu.memory_space<vmem>>, vector<1x64xf32>
      %convert_element_type3A_141 = arith.truncf %get3A_140 : vector<1x64xf32> to vector<1x64xbf16>
      %swap3A_142 = arith.constant 7 : index
      %swap3A_143 = arith.constant 0 : index
      %swap3A_144 = vector.load %arg7[%swap3A_142, %swap3A_143] : memref<64x128xbf16, #tpu.memory_space<vmem>>, vector<1x64xbf16>
      tpu.vector_store %arg7[%swap3A_142, %swap3A_143], %convert_element_type3A_141 {strides = array<i32>} : memref<64x128xbf16, #tpu.memory_space<vmem>>, vector<1x64xbf16>,
      %swap3A_145 = arith.constant 39 : index
      %swap3A_146 = arith.constant 64 : index
      %swap3A_147 = vector.load %arg7[%swap3A_145, %swap3A_146] : memref<64x128xbf16, #tpu.memory_space<vmem>>, vector<1x64xbf16>
      tpu.vector_store %arg7[%swap3A_145, %swap3A_146], %convert_element_type3A_141 {strides = array<i32>} : memref<64x128xbf16, #tpu.memory_space<vmem>>, vector<1x64xbf16>,
      %get3A_148 = arith.constant 8 : index
      %get3A_149 = memref.load %arg1[%get3A_148] : memref<32xi32, #tpu.memory_space<smem>>
      %add3A_150 = arith.constant 64 : i32
      %add3A_151 = arith.addi %add3A_150, %get3A_149 : i32
      %get3A_152 = arith.index_cast %add3A_151 : i32 to index
      %get3A_153 = arith.constant 0 : index
      %get3A_154 = vector.load %arg2[%get3A_152, %get3A_153] : memref<256x64xf32, #tpu.memory_space<vmem>>, vector<1x64xf32>
      %convert_element_type3A_155 = arith.truncf %get3A_154 : vector<1x64xf32> to vector<1x64xbf16>
      %swap3A_156 = arith.constant 8 : index
      %swap3A_157 = arith.constant 0 : index
      %swap3A_158 = vector.load %arg7[%swap3A_156, %swap3A_157] : memref<64x128xbf16, #tpu.memory_space<vmem>>, vector<1x64xbf16>
      tpu.vector_store %arg7[%swap3A_156, %swap3A_157], %convert_element_type3A_155 {strides = array<i32>} : memref<64x128xbf16, #tpu.memory_space<vmem>>, vector<1x64xbf16>,
      %swap3A_159 = arith.constant 40 : index
      %swap3A_160 = arith.constant 64 : index
      %swap3A_161 = vector.load %arg7[%swap3A_159, %swap3A_160] : memref<64x128xbf16, #tpu.memory_space<vmem>>, vector<1x64xbf16>
      tpu.vector_store %arg7[%swap3A_159, %swap3A_160], %convert_element_type3A_155 {strides = array<i32>} : memref<64x128xbf16, #tpu.memory_space<vmem>>, vector<1x64xbf16>,
      %get3A_162 = arith.constant 9 : index
      %get3A_163 = memref.load %arg1[%get3A_162] : memref<32xi32, #tpu.memory_space<smem>>
      %add3A_164 = arith.constant 72 : i32
      %add3A_165 = arith.addi %add3A_164, %get3A_163 : i32
      %get3A_166 = arith.index_cast %add3A_165 : i32 to index
      %get3A_167 = arith.constant 0 : index
      %get3A_168 = vector.load %arg2[%get3A_166, %get3A_167] : memref<256x64xf32, #tpu.memory_space<vmem>>, vector<1x64xf32>
      %convert_element_type3A_169 = arith.truncf %get3A_168 : vector<1x64xf32> to vector<1x64xbf16>
      %swap3A_170 = arith.constant 9 : index
      %swap3A_171 = arith.constant 0 : index
      %swap3A_172 = vector.load %arg7[%swap3A_170, %swap3A_171] : memref<64x128xbf16, #tpu.memory_space<vmem>>, vector<1x64xbf16>
      tpu.vector_store %arg7[%swap3A_170, %swap3A_171], %convert_element_type3A_169 {strides = array<i32>} : memref<64x128xbf16, #tpu.memory_space<vmem>>, vector<1x64xbf16>,
      %swap3A_173 = arith.constant 41 : index
      %swap3A_174 = arith.constant 64 : index
      %swap3A_175 = vector.load %arg7[%swap3A_173, %swap3A_174] : memref<64x128xbf16, #tpu.memory_space<vmem>>, vector<1x64xbf16>
      tpu.vector_store %arg7[%swap3A_173, %swap3A_174], %convert_element_type3A_169 {strides = array<i32>} : memref<64x128xbf16, #tpu.memory_space<vmem>>, vector<1x64xbf16>,
      %get3A_176 = arith.constant 10 : index
      %get3A_177 = memref.load %arg1[%get3A_176] : memref<32xi32, #tpu.memory_space<smem>>
      %add3A_178 = arith.constant 80 : i32
      %add3A_179 = arith.addi %add3A_178, %get3A_177 : i32
      %get3A_180 = arith.index_cast %add3A_179 : i32 to index
      %get3A_181 = arith.constant 0 : index
      %get3A_182 = vector.load %arg2[%get3A_180, %get3A_181] : memref<256x64xf32, #tpu.memory_space<vmem>>, vector<1x64xf32>
      %convert_element_type3A_183 = arith.truncf %get3A_182 : vector<1x64xf32> to vector<1x64xbf16>
      %swap3A_184 = arith.constant 10 : index
      %swap3A_185 = arith.constant 0 : index
      %swap3A_186 = vector.load %arg7[%swap3A_184, %swap3A_185] : memref<64x128xbf16, #tpu.memory_space<vmem>>, vector<1x64xbf16>
      tpu.vector_store %arg7[%swap3A_184, %swap3A_185], %convert_element_type3A_183 {strides = array<i32>} : memref<64x128xbf16, #tpu.memory_space<vmem>>, vector<1x64xbf16>,
      %swap3A_187 = arith.constant 42 : index
      %swap3A_188 = arith.constant 64 : index
      %swap3A_189 = vector.load %arg7[%swap3A_187, %swap3A_188] : memref<64x128xbf16, #tpu.memory_space<vmem>>, vector<1x64xbf16>
      tpu.vector_store %arg7[%swap3A_187, %swap3A_188], %convert_element_type3A_183 {strides = array<i32>} : memref<64x128xbf16, #tpu.memory_space<vmem>>, vector<1x64xbf16>,
      %get3A_190 = arith.constant 11 : index
      %get3A_191 = memref.load %arg1[%get3A_190] : memref<32xi32, #tpu.memory_space<smem>>
      %add3A_192 = arith.constant 88 : i32
      %add3A_193 = arith.addi %add3A_192, %get3A_191 : i32
      %get3A_194 = arith.index_cast %add3A_193 : i32 to index
      %get3A_195 = arith.constant 0 : index
      %get3A_196 = vector.load %arg2[%get3A_194, %get3A_195] : memref<256x64xf32, #tpu.memory_space<vmem>>, vector<1x64xf32>
      %convert_element_type3A_197 = arith.truncf %get3A_196 : vector<1x64xf32> to vector<1x64xbf16>
      %swap3A_198 = arith.constant 11 : index
      %swap3A_199 = arith.constant 0 : index
      %swap3A_200 = vector.load %arg7[%swap3A_198, %swap3A_199] : memref<64x128xbf16, #tpu.memory_space<vmem>>, vector<1x64xbf16>
      tpu.vector_store %arg7[%swap3A_198, %swap3A_199], %convert_element_type3A_197 {strides = array<i32>} : memref<64x128xbf16, #tpu.memory_space<vmem>>, vector<1x64xbf16>,
      %swap3A_201 = arith.constant 43 : index
      %swap3A_202 = arith.constant 64 : index
      %swap3A_203 = vector.load %arg7[%swap3A_201, %swap3A_202] : memref<64x128xbf16, #tpu.memory_space<vmem>>, vector<1x64xbf16>
      tpu.vector_store %arg7[%swap3A_201, %swap3A_202], %convert_element_type3A_197 {strides = array<i32>} : memref<64x128xbf16, #tpu.memory_space<vmem>>, vector<1x64xbf16>,
      %get3A_204 = arith.constant 12 : index
      %get3A_205 = memref.load %arg1[%get3A_204] : memref<32xi32, #tpu.memory_space<smem>>
      %add3A_206 = arith.constant 96 : i32
      %add3A_207 = arith.addi %add3A_206, %get3A_205 : i32
      %get3A_208 = arith.index_cast %add3A_207 : i32 to index
      %get3A_209 = arith.constant 0 : index
      %get3A_210 = vector.load %arg2[%get3A_208, %get3A_209] : memref<256x64xf32, #tpu.memory_space<vmem>>, vector<1x64xf32>
      %convert_element_type3A_211 = arith.truncf %get3A_210 : vector<1x64xf32> to vector<1x64xbf16>
      %swap3A_212 = arith.constant 12 : index
      %swap3A_213 = arith.constant 0 : index
      %swap3A_214 = vector.load %arg7[%swap3A_212, %swap3A_213] : memref<64x128xbf16, #tpu.memory_space<vmem>>, vector<1x64xbf16>
      tpu.vector_store %arg7[%swap3A_212, %swap3A_213], %convert_element_type3A_211 {strides = array<i32>} : memref<64x128xbf16, #tpu.memory_space<vmem>>, vector<1x64xbf16>,
      %swap3A_215 = arith.constant 44 : index
      %swap3A_216 = arith.constant 64 : index
      %swap3A_217 = vector.load %arg7[%swap3A_215, %swap3A_216] : memref<64x128xbf16, #tpu.memory_space<vmem>>, vector<1x64xbf16>
      tpu.vector_store %arg7[%swap3A_215, %swap3A_216], %convert_element_type3A_211 {strides = array<i32>} : memref<64x128xbf16, #tpu.memory_space<vmem>>, vector<1x64xbf16>,
      %get3A_218 = arith.constant 13 : index
      %get3A_219 = memref.load %arg1[%get3A_218] : memref<32xi32, #tpu.memory_space<smem>>
      %add3A_220 = arith.constant 104 : i32
      %add3A_221 = arith.addi %add3A_220, %get3A_219 : i32
      %get3A_222 = arith.index_cast %add3A_221 : i32 to index
      %get3A_223 = arith.constant 0 : index
      %get3A_224 = vector.load %arg2[%get3A_222, %get3A_223] : memref<256x64xf32, #tpu.memory_space<vmem>>, vector<1x64xf32>
      %convert_element_type3A_225 = arith.truncf %get3A_224 : vector<1x64xf32> to vector<1x64xbf16>
      %swap3A_226 = arith.constant 13 : index
      %swap3A_227 = arith.constant 0 : index
      %swap3A_228 = vector.load %arg7[%swap3A_226, %swap3A_227] : memref<64x128xbf16, #tpu.memory_space<vmem>>, vector<1x64xbf16>
      tpu.vector_store %arg7[%swap3A_226, %swap3A_227], %convert_element_type3A_225 {strides = array<i32>} : memref<64x128xbf16, #tpu.memory_space<vmem>>, vector<1x64xbf16>,
      %swap3A_229 = arith.constant 45 : index
      %swap3A_230 = arith.constant 64 : index
      %swap3A_231 = vector.load %arg7[%swap3A_229, %swap3A_230] : memref<64x128xbf16, #tpu.memory_space<vmem>>, vector<1x64xbf16>
      tpu.vector_store %arg7[%swap3A_229, %swap3A_230], %convert_element_type3A_225 {strides = array<i32>} : memref<64x128xbf16, #tpu.memory_space<vmem>>, vector<1x64xbf16>,
      %get3A_232 = arith.constant 14 : index
      %get3A_233 = memref.load %arg1[%get3A_232] : memref<32xi32, #tpu.memory_space<smem>>
      %add3A_234 = arith.constant 112 : i32
      %add3A_235 = arith.addi %add3A_234, %get3A_233 : i32
      %get3A_236 = arith.index_cast %add3A_235 : i32 to index
      %get3A_237 = arith.constant 0 : index
      %get3A_238 = vector.load %arg2[%get3A_236, %get3A_237] : memref<256x64xf32, #tpu.memory_space<vmem>>, vector<1x64xf32>
      %convert_element_type3A_239 = arith.truncf %get3A_238 : vector<1x64xf32> to vector<1x64xbf16>
      %swap3A_240 = arith.constant 14 : index
      %swap3A_241 = arith.constant 0 : index
      %swap3A_242 = vector.load %arg7[%swap3A_240, %swap3A_241] : memref<64x128xbf16, #tpu.memory_space<vmem>>, vector<1x64xbf16>
      tpu.vector_store %arg7[%swap3A_240, %swap3A_241], %convert_element_type3A_239 {strides = array<i32>} : memref<64x128xbf16, #tpu.memory_space<vmem>>, vector<1x64xbf16>,
      %swap3A_243 = arith.constant 46 : index
      %swap3A_244 = arith.constant 64 : index
      %swap3A_245 = vector.load %arg7[%swap3A_243, %swap3A_244] : memref<64x128xbf16, #tpu.memory_space<vmem>>, vector<1x64xbf16>
      tpu.vector_store %arg7[%swap3A_243, %swap3A_244], %convert_element_type3A_239 {strides = array<i32>} : memref<64x128xbf16, #tpu.memory_space<vmem>>, vector<1x64xbf16>,
      %get3A_246 = arith.constant 15 : index
      %get3A_247 = memref.load %arg1[%get3A_246] : memref<32xi32, #tpu.memory_space<smem>>
      %add3A_248 = arith.constant 120 : i32
      %add3A_249 = arith.addi %add3A_248, %get3A_247 : i32
      %get3A_250 = arith.index_cast %add3A_249 : i32 to index
      %get3A_251 = arith.constant 0 : index
      %get3A_252 = vector.load %arg2[%get3A_250, %get3A_251] : memref<256x64xf32, #tpu.memory_space<vmem>>, vector<1x64xf32>
      %convert_element_type3A_253 = arith.truncf %get3A_252 : vector<1x64xf32> to vector<1x64xbf16>
      %swap3A_254 = arith.constant 15 : index
      %swap3A_255 = arith.constant 0 : index
      %swap3A_256 = vector.load %arg7[%swap3A_254, %swap3A_255] : memref<64x128xbf16, #tpu.memory_space<vmem>>, vector<1x64xbf16>
      tpu.vector_store %arg7[%swap3A_254, %swap3A_255], %convert_element_type3A_253 {strides = array<i32>} : memref<64x128xbf16, #tpu.memory_space<vmem>>, vector<1x64xbf16>,
      %swap3A_257 = arith.constant 47 : index
      %swap3A_258 = arith.constant 64 : index
      %swap3A_259 = vector.load %arg7[%swap3A_257, %swap3A_258] : memref<64x128xbf16, #tpu.memory_space<vmem>>, vector<1x64xbf16>
      tpu.vector_store %arg7[%swap3A_257, %swap3A_258], %convert_element_type3A_253 {strides = array<i32>} : memref<64x128xbf16, #tpu.memory_space<vmem>>, vector<1x64xbf16>,
      %get3A_260 = arith.constant 16 : index
      %get3A_261 = memref.load %arg1[%get3A_260] : memref<32xi32, #tpu.memory_space<smem>>
      %add3A_262 = arith.constant 128 : i32
      %add3A_263 = arith.addi %add3A_262, %get3A_261 : i32
      %get3A_264 = arith.index_cast %add3A_263 : i32 to index
      %get3A_265 = arith.constant 0 : index
      %get3A_266 = vector.load %arg2[%get3A_264, %get3A_265] : memref<256x64xf32, #tpu.memory_space<vmem>>, vector<1x64xf32>
      %convert_element_type3A_267 = arith.truncf %get3A_266 : vector<1x64xf32> to vector<1x64xbf16>
      %swap3A_268 = arith.constant 16 : index
      %swap3A_269 = arith.constant 0 : index
      %swap3A_270 = vector.load %arg7[%swap3A_268, %swap3A_269] : memref<64x128xbf16, #tpu.memory_space<vmem>>, vector<1x64xbf16>
      tpu.vector_store %arg7[%swap3A_268, %swap3A_269], %convert_element_type3A_267 {strides = array<i32>} : memref<64x128xbf16, #tpu.memory_space<vmem>>, vector<1x64xbf16>,
      %swap3A_271 = arith.constant 48 : index
      %swap3A_272 = arith.constant 64 : index
      %swap3A_273 = vector.load %arg7[%swap3A_271, %swap3A_272] : memref<64x128xbf16, #tpu.memory_space<vmem>>, vector<1x64xbf16>
      tpu.vector_store %arg7[%swap3A_271, %swap3A_272], %convert_element_type3A_267 {strides = array<i32>} : memref<64x128xbf16, #tpu.memory_space<vmem>>, vector<1x64xbf16>,
      %get3A_274 = arith.constant 17 : index
      %get3A_275 = memref.load %arg1[%get3A_274] : memref<32xi32, #tpu.memory_space<smem>>
      %add3A_276 = arith.constant 136 : i32
      %add3A_277 = arith.addi %add3A_276, %get3A_275 : i32
      %get3A_278 = arith.index_cast %add3A_277 : i32 to index
      %get3A_279 = arith.constant 0 : index
      %get3A_280 = vector.load %arg2[%get3A_278, %get3A_279] : memref<256x64xf32, #tpu.memory_space<vmem>>, vector<1x64xf32>
      %convert_element_type3A_281 = arith.truncf %get3A_280 : vector<1x64xf32> to vector<1x64xbf16>
      %swap3A_282 = arith.constant 17 : index
      %swap3A_283 = arith.constant 0 : index
      %swap3A_284 = vector.load %arg7[%swap3A_282, %swap3A_283] : memref<64x128xbf16, #tpu.memory_space<vmem>>, vector<1x64xbf16>
      tpu.vector_store %arg7[%swap3A_282, %swap3A_283], %convert_element_type3A_281 {strides = array<i32>} : memref<64x128xbf16, #tpu.memory_space<vmem>>, vector<1x64xbf16>,
      %swap3A_285 = arith.constant 49 : index
      %swap3A_286 = arith.constant 64 : index
      %swap3A_287 = vector.load %arg7[%swap3A_285, %swap3A_286] : memref<64x128xbf16, #tpu.memory_space<vmem>>, vector<1x64xbf16>
      tpu.vector_store %arg7[%swap3A_285, %swap3A_286], %convert_element_type3A_281 {strides = array<i32>} : memref<64x128xbf16, #tpu.memory_space<vmem>>, vector<1x64xbf16>,
      %get3A_288 = arith.constant 18 : index
      %get3A_289 = memref.load %arg1[%get3A_288] : memref<32xi32, #tpu.memory_space<smem>>
      %add3A_290 = arith.constant 144 : i32
      %add3A_291 = arith.addi %add3A_290, %get3A_289 : i32
      %get3A_292 = arith.index_cast %add3A_291 : i32 to index
      %get3A_293 = arith.constant 0 : index
      %get3A_294 = vector.load %arg2[%get3A_292, %get3A_293] : memref<256x64xf32, #tpu.memory_space<vmem>>, vector<1x64xf32>
      %convert_element_type3A_295 = arith.truncf %get3A_294 : vector<1x64xf32> to vector<1x64xbf16>
      %swap3A_296 = arith.constant 18 : index
      %swap3A_297 = arith.constant 0 : index
      %swap3A_298 = vector.load %arg7[%swap3A_296, %swap3A_297] : memref<64x128xbf16, #tpu.memory_space<vmem>>, vector<1x64xbf16>
      tpu.vector_store %arg7[%swap3A_296, %swap3A_297], %convert_element_type3A_295 {strides = array<i32>} : memref<64x128xbf16, #tpu.memory_space<vmem>>, vector<1x64xbf16>,
      %swap3A_299 = arith.constant 50 : index
      %swap3A_300 = arith.constant 64 : index
      %swap3A_301 = vector.load %arg7[%swap3A_299, %swap3A_300] : memref<64x128xbf16, #tpu.memory_space<vmem>>, vector<1x64xbf16>
      tpu.vector_store %arg7[%swap3A_299, %swap3A_300], %convert_element_type3A_295 {strides = array<i32>} : memref<64x128xbf16, #tpu.memory_space<vmem>>, vector<1x64xbf16>,
      %get3A_302 = arith.constant 19 : index
      %get3A_303 = memref.load %arg1[%get3A_302] : memref<32xi32, #tpu.memory_space<smem>>
      %add3A_304 = arith.constant 152 : i32
      %add3A_305 = arith.addi %add3A_304, %get3A_303 : i32
      %get3A_306 = arith.index_cast %add3A_305 : i32 to index
      %get3A_307 = arith.constant 0 : index
      %get3A_308 = vector.load %arg2[%get3A_306, %get3A_307] : memref<256x64xf32, #tpu.memory_space<vmem>>, vector<1x64xf32>
      %convert_element_type3A_309 = arith.truncf %get3A_308 : vector<1x64xf32> to vector<1x64xbf16>
      %swap3A_310 = arith.constant 19 : index
      %swap3A_311 = arith.constant 0 : index
      %swap3A_312 = vector.load %arg7[%swap3A_310, %swap3A_311] : memref<64x128xbf16, #tpu.memory_space<vmem>>, vector<1x64xbf16>
      tpu.vector_store %arg7[%swap3A_310, %swap3A_311], %convert_element_type3A_309 {strides = array<i32>} : memref<64x128xbf16, #tpu.memory_space<vmem>>, vector<1x64xbf16>,
      %swap3A_313 = arith.constant 51 : index
      %swap3A_314 = arith.constant 64 : index
      %swap3A_315 = vector.load %arg7[%swap3A_313, %swap3A_314] : memref<64x128xbf16, #tpu.memory_space<vmem>>, vector<1x64xbf16>
      tpu.vector_store %arg7[%swap3A_313, %swap3A_314], %convert_element_type3A_309 {strides = array<i32>} : memref<64x128xbf16, #tpu.memory_space<vmem>>, vector<1x64xbf16>,
      %get3A_316 = arith.constant 20 : index
      %get3A_317 = memref.load %arg1[%get3A_316] : memref<32xi32, #tpu.memory_space<smem>>
      %add3A_318 = arith.constant 160 : i32
      %add3A_319 = arith.addi %add3A_318, %get3A_317 : i32
      %get3A_320 = arith.index_cast %add3A_319 : i32 to index
      %get3A_321 = arith.constant 0 : index
      %get3A_322 = vector.load %arg2[%get3A_320, %get3A_321] : memref<256x64xf32, #tpu.memory_space<vmem>>, vector<1x64xf32>
      %convert_element_type3A_323 = arith.truncf %get3A_322 : vector<1x64xf32> to vector<1x64xbf16>
      %swap3A_324 = arith.constant 20 : index
      %swap3A_325 = arith.constant 0 : index
      %swap3A_326 = vector.load %arg7[%swap3A_324, %swap3A_325] : memref<64x128xbf16, #tpu.memory_space<vmem>>, vector<1x64xbf16>
      tpu.vector_store %arg7[%swap3A_324, %swap3A_325], %convert_element_type3A_323 {strides = array<i32>} : memref<64x128xbf16, #tpu.memory_space<vmem>>, vector<1x64xbf16>,
      %swap3A_327 = arith.constant 52 : index
      %swap3A_328 = arith.constant 64 : index
      %swap3A_329 = vector.load %arg7[%swap3A_327, %swap3A_328] : memref<64x128xbf16, #tpu.memory_space<vmem>>, vector<1x64xbf16>
      tpu.vector_store %arg7[%swap3A_327, %swap3A_328], %convert_element_type3A_323 {strides = array<i32>} : memref<64x128xbf16, #tpu.memory_space<vmem>>, vector<1x64xbf16>,
      %get3A_330 = arith.constant 21 : index
      %get3A_331 = memref.load %arg1[%get3A_330] : memref<32xi32, #tpu.memory_space<smem>>
      %add3A_332 = arith.constant 168 : i32
      %add3A_333 = arith.addi %add3A_332, %get3A_331 : i32
      %get3A_334 = arith.index_cast %add3A_333 : i32 to index
      %get3A_335 = arith.constant 0 : index
      %get3A_336 = vector.load %arg2[%get3A_334, %get3A_335] : memref<256x64xf32, #tpu.memory_space<vmem>>, vector<1x64xf32>
      %convert_element_type3A_337 = arith.truncf %get3A_336 : vector<1x64xf32> to vector<1x64xbf16>
      %swap3A_338 = arith.constant 21 : index
      %swap3A_339 = arith.constant 0 : index
      %swap3A_340 = vector.load %arg7[%swap3A_338, %swap3A_339] : memref<64x128xbf16, #tpu.memory_space<vmem>>, vector<1x64xbf16>
      tpu.vector_store %arg7[%swap3A_338, %swap3A_339], %convert_element_type3A_337 {strides = array<i32>} : memref<64x128xbf16, #tpu.memory_space<vmem>>, vector<1x64xbf16>,
      %swap3A_341 = arith.constant 53 : index
      %swap3A_342 = arith.constant 64 : index
      %swap3A_343 = vector.load %arg7[%swap3A_341, %swap3A_342] : memref<64x128xbf16, #tpu.memory_space<vmem>>, vector<1x64xbf16>
      tpu.vector_store %arg7[%swap3A_341, %swap3A_342], %convert_element_type3A_337 {strides = array<i32>} : memref<64x128xbf16, #tpu.memory_space<vmem>>, vector<1x64xbf16>,
      %get3A_344 = arith.constant 22 : index
      %get3A_345 = memref.load %arg1[%get3A_344] : memref<32xi32, #tpu.memory_space<smem>>
      %add3A_346 = arith.constant 176 : i32
      %add3A_347 = arith.addi %add3A_346, %get3A_345 : i32
      %get3A_348 = arith.index_cast %add3A_347 : i32 to index
      %get3A_349 = arith.constant 0 : index
      %get3A_350 = vector.load %arg2[%get3A_348, %get3A_349] : memref<256x64xf32, #tpu.memory_space<vmem>>, vector<1x64xf32>
      %convert_element_type3A_351 = arith.truncf %get3A_350 : vector<1x64xf32> to vector<1x64xbf16>
      %swap3A_352 = arith.constant 22 : index
      %swap3A_353 = arith.constant 0 : index
      %swap3A_354 = vector.load %arg7[%swap3A_352, %swap3A_353] : memref<64x128xbf16, #tpu.memory_space<vmem>>, vector<1x64xbf16>
      tpu.vector_store %arg7[%swap3A_352, %swap3A_353], %convert_element_type3A_351 {strides = array<i32>} : memref<64x128xbf16, #tpu.memory_space<vmem>>, vector<1x64xbf16>,
      %swap3A_355 = arith.constant 54 : index
      %swap3A_356 = arith.constant 64 : index
      %swap3A_357 = vector.load %arg7[%swap3A_355, %swap3A_356] : memref<64x128xbf16, #tpu.memory_space<vmem>>, vector<1x64xbf16>
      tpu.vector_store %arg7[%swap3A_355, %swap3A_356], %convert_element_type3A_351 {strides = array<i32>} : memref<64x128xbf16, #tpu.memory_space<vmem>>, vector<1x64xbf16>,
      %get3A_358 = arith.constant 23 : index
      %get3A_359 = memref.load %arg1[%get3A_358] : memref<32xi32, #tpu.memory_space<smem>>
      %add3A_360 = arith.constant 184 : i32
      %add3A_361 = arith.addi %add3A_360, %get3A_359 : i32
      %get3A_362 = arith.index_cast %add3A_361 : i32 to index
      %get3A_363 = arith.constant 0 : index
      %get3A_364 = vector.load %arg2[%get3A_362, %get3A_363] : memref<256x64xf32, #tpu.memory_space<vmem>>, vector<1x64xf32>
      %convert_element_type3A_365 = arith.truncf %get3A_364 : vector<1x64xf32> to vector<1x64xbf16>
      %swap3A_366 = arith.constant 23 : index
      %swap3A_367 = arith.constant 0 : index
      %swap3A_368 = vector.load %arg7[%swap3A_366, %swap3A_367] : memref<64x128xbf16, #tpu.memory_space<vmem>>, vector<1x64xbf16>
      tpu.vector_store %arg7[%swap3A_366, %swap3A_367], %convert_element_type3A_365 {strides = array<i32>} : memref<64x128xbf16, #tpu.memory_space<vmem>>, vector<1x64xbf16>,
      %swap3A_369 = arith.constant 55 : index
      %swap3A_370 = arith.constant 64 : index
      %swap3A_371 = vector.load %arg7[%swap3A_369, %swap3A_370] : memref<64x128xbf16, #tpu.memory_space<vmem>>, vector<1x64xbf16>
      tpu.vector_store %arg7[%swap3A_369, %swap3A_370], %convert_element_type3A_365 {strides = array<i32>} : memref<64x128xbf16, #tpu.memory_space<vmem>>, vector<1x64xbf16>,
      %get3A_372 = arith.constant 24 : index
      %get3A_373 = memref.load %arg1[%get3A_372] : memref<32xi32, #tpu.memory_space<smem>>
      %add3A_374 = arith.constant 192 : i32
      %add3A_375 = arith.addi %add3A_374, %get3A_373 : i32
      %get3A_376 = arith.index_cast %add3A_375 : i32 to index
      %get3A_377 = arith.constant 0 : index
      %get3A_378 = vector.load %arg2[%get3A_376, %get3A_377] : memref<256x64xf32, #tpu.memory_space<vmem>>, vector<1x64xf32>
      %convert_element_type3A_379 = arith.truncf %get3A_378 : vector<1x64xf32> to vector<1x64xbf16>
      %swap3A_380 = arith.constant 24 : index
      %swap3A_381 = arith.constant 0 : index
      %swap3A_382 = vector.load %arg7[%swap3A_380, %swap3A_381] : memref<64x128xbf16, #tpu.memory_space<vmem>>, vector<1x64xbf16>
      tpu.vector_store %arg7[%swap3A_380, %swap3A_381], %convert_element_type3A_379 {strides = array<i32>} : memref<64x128xbf16, #tpu.memory_space<vmem>>, vector<1x64xbf16>,
      %swap3A_383 = arith.constant 56 : index
      %swap3A_384 = arith.constant 64 : index
      %swap3A_385 = vector.load %arg7[%swap3A_383, %swap3A_384] : memref<64x128xbf16, #tpu.memory_space<vmem>>, vector<1x64xbf16>
      tpu.vector_store %arg7[%swap3A_383, %swap3A_384], %convert_element_type3A_379 {strides = array<i32>} : memref<64x128xbf16, #tpu.memory_space<vmem>>, vector<1x64xbf16>,
      %get3A_386 = arith.constant 25 : index
      %get3A_387 = memref.load %arg1[%get3A_386] : memref<32xi32, #tpu.memory_space<smem>>
      %add3A_388 = arith.constant 200 : i32
      %add3A_389 = arith.addi %add3A_388, %get3A_387 : i32
      %get3A_390 = arith.index_cast %add3A_389 : i32 to index
      %get3A_391 = arith.constant 0 : index
      %get3A_392 = vector.load %arg2[%get3A_390, %get3A_391] : memref<256x64xf32, #tpu.memory_space<vmem>>, vector<1x64xf32>
      %convert_element_type3A_393 = arith.truncf %get3A_392 : vector<1x64xf32> to vector<1x64xbf16>
      %swap3A_394 = arith.constant 25 : index
      %swap3A_395 = arith.constant 0 : index
      %swap3A_396 = vector.load %arg7[%swap3A_394, %swap3A_395] : memref<64x128xbf16, #tpu.memory_space<vmem>>, vector<1x64xbf16>
      tpu.vector_store %arg7[%swap3A_394, %swap3A_395], %convert_element_type3A_393 {strides = array<i32>} : memref<64x128xbf16, #tpu.memory_space<vmem>>, vector<1x64xbf16>,
      %swap3A_397 = arith.constant 57 : index
      %swap3A_398 = arith.constant 64 : index
      %swap3A_399 = vector.load %arg7[%swap3A_397, %swap3A_398] : memref<64x128xbf16, #tpu.memory_space<vmem>>, vector<1x64xbf16>
      tpu.vector_store %arg7[%swap3A_397, %swap3A_398], %convert_element_type3A_393 {strides = array<i32>} : memref<64x128xbf16, #tpu.memory_space<vmem>>, vector<1x64xbf16>,
      %get3A_400 = arith.constant 26 : index
      %get3A_401 = memref.load %arg1[%get3A_400] : memref<32xi32, #tpu.memory_space<smem>>
      %add3A_402 = arith.constant 208 : i32
      %add3A_403 = arith.addi %add3A_402, %get3A_401 : i32
      %get3A_404 = arith.index_cast %add3A_403 : i32 to index
      %get3A_405 = arith.constant 0 : index
      %get3A_406 = vector.load %arg2[%get3A_404, %get3A_405] : memref<256x64xf32, #tpu.memory_space<vmem>>, vector<1x64xf32>
      %convert_element_type3A_407 = arith.truncf %get3A_406 : vector<1x64xf32> to vector<1x64xbf16>
      %swap3A_408 = arith.constant 26 : index
      %swap3A_409 = arith.constant 0 : index
      %swap3A_410 = vector.load %arg7[%swap3A_408, %swap3A_409] : memref<64x128xbf16, #tpu.memory_space<vmem>>, vector<1x64xbf16>
      tpu.vector_store %arg7[%swap3A_408, %swap3A_409], %convert_element_type3A_407 {strides = array<i32>} : memref<64x128xbf16, #tpu.memory_space<vmem>>, vector<1x64xbf16>,
      %swap3A_411 = arith.constant 58 : index
      %swap3A_412 = arith.constant 64 : index
      %swap3A_413 = vector.load %arg7[%swap3A_411, %swap3A_412] : memref<64x128xbf16, #tpu.memory_space<vmem>>, vector<1x64xbf16>
      tpu.vector_store %arg7[%swap3A_411, %swap3A_412], %convert_element_type3A_407 {strides = array<i32>} : memref<64x128xbf16, #tpu.memory_space<vmem>>, vector<1x64xbf16>,
      %get3A_414 = arith.constant 27 : index
      %get3A_415 = memref.load %arg1[%get3A_414] : memref<32xi32, #tpu.memory_space<smem>>
      %add3A_416 = arith.constant 216 : i32
      %add3A_417 = arith.addi %add3A_416, %get3A_415 : i32
      %get3A_418 = arith.index_cast %add3A_417 : i32 to index
      %get3A_419 = arith.constant 0 : index
      %get3A_420 = vector.load %arg2[%get3A_418, %get3A_419] : memref<256x64xf32, #tpu.memory_space<vmem>>, vector<1x64xf32>
      %convert_element_type3A_421 = arith.truncf %get3A_420 : vector<1x64xf32> to vector<1x64xbf16>
      %swap3A_422 = arith.constant 27 : index
      %swap3A_423 = arith.constant 0 : index
      %swap3A_424 = vector.load %arg7[%swap3A_422, %swap3A_423] : memref<64x128xbf16, #tpu.memory_space<vmem>>, vector<1x64xbf16>
      tpu.vector_store %arg7[%swap3A_422, %swap3A_423], %convert_element_type3A_421 {strides = array<i32>} : memref<64x128xbf16, #tpu.memory_space<vmem>>, vector<1x64xbf16>,
      %swap3A_425 = arith.constant 59 : index
      %swap3A_426 = arith.constant 64 : index
      %swap3A_427 = vector.load %arg7[%swap3A_425, %swap3A_426] : memref<64x128xbf16, #tpu.memory_space<vmem>>, vector<1x64xbf16>
      tpu.vector_store %arg7[%swap3A_425, %swap3A_426], %convert_element_type3A_421 {strides = array<i32>} : memref<64x128xbf16, #tpu.memory_space<vmem>>, vector<1x64xbf16>,
      %get3A_428 = arith.constant 28 : index
      %get3A_429 = memref.load %arg1[%get3A_428] : memref<32xi32, #tpu.memory_space<smem>>
      %add3A_430 = arith.constant 224 : i32
      %add3A_431 = arith.addi %add3A_430, %get3A_429 : i32
      %get3A_432 = arith.index_cast %add3A_431 : i32 to index
      %get3A_433 = arith.constant 0 : index
      %get3A_434 = vector.load %arg2[%get3A_432, %get3A_433] : memref<256x64xf32, #tpu.memory_space<vmem>>, vector<1x64xf32>
      %convert_element_type3A_435 = arith.truncf %get3A_434 : vector<1x64xf32> to vector<1x64xbf16>
      %swap3A_436 = arith.constant 28 : index
      %swap3A_437 = arith.constant 0 : index
      %swap3A_438 = vector.load %arg7[%swap3A_436, %swap3A_437] : memref<64x128xbf16, #tpu.memory_space<vmem>>, vector<1x64xbf16>
      tpu.vector_store %arg7[%swap3A_436, %swap3A_437], %convert_element_type3A_435 {strides = array<i32>} : memref<64x128xbf16, #tpu.memory_space<vmem>>, vector<1x64xbf16>,
      %swap3A_439 = arith.constant 60 : index
      %swap3A_440 = arith.constant 64 : index
      %swap3A_441 = vector.load %arg7[%swap3A_439, %swap3A_440] : memref<64x128xbf16, #tpu.memory_space<vmem>>, vector<1x64xbf16>
      tpu.vector_store %arg7[%swap3A_439, %swap3A_440], %convert_element_type3A_435 {strides = array<i32>} : memref<64x128xbf16, #tpu.memory_space<vmem>>, vector<1x64xbf16>,
      %get3A_442 = arith.constant 29 : index
      %get3A_443 = memref.load %arg1[%get3A_442] : memref<32xi32, #tpu.memory_space<smem>>
      %add3A_444 = arith.constant 232 : i32
      %add3A_445 = arith.addi %add3A_444, %get3A_443 : i32
      %get3A_446 = arith.index_cast %add3A_445 : i32 to index
      %get3A_447 = arith.constant 0 : index
      %get3A_448 = vector.load %arg2[%get3A_446, %get3A_447] : memref<256x64xf32, #tpu.memory_space<vmem>>, vector<1x64xf32>
      %convert_element_type3A_449 = arith.truncf %get3A_448 : vector<1x64xf32> to vector<1x64xbf16>
      %swap3A_450 = arith.constant 29 : index
      %swap3A_451 = arith.constant 0 : index
      %swap3A_452 = vector.load %arg7[%swap3A_450, %swap3A_451] : memref<64x128xbf16, #tpu.memory_space<vmem>>, vector<1x64xbf16>
      tpu.vector_store %arg7[%swap3A_450, %swap3A_451], %convert_element_type3A_449 {strides = array<i32>} : memref<64x128xbf16, #tpu.memory_space<vmem>>, vector<1x64xbf16>,
      %swap3A_453 = arith.constant 61 : index
      %swap3A_454 = arith.constant 64 : index
      %swap3A_455 = vector.load %arg7[%swap3A_453, %swap3A_454] : memref<64x128xbf16, #tpu.memory_space<vmem>>, vector<1x64xbf16>
      tpu.vector_store %arg7[%swap3A_453, %swap3A_454], %convert_element_type3A_449 {strides = array<i32>} : memref<64x128xbf16, #tpu.memory_space<vmem>>, vector<1x64xbf16>,
      %get3A_456 = arith.constant 30 : index
      %get3A_457 = memref.load %arg1[%get3A_456] : memref<32xi32, #tpu.memory_space<smem>>
      %add3A_458 = arith.constant 240 : i32
      %add3A_459 = arith.addi %add3A_458, %get3A_457 : i32
      %get3A_460 = arith.index_cast %add3A_459 : i32 to index
      %get3A_461 = arith.constant 0 : index
      %get3A_462 = vector.load %arg2[%get3A_460, %get3A_461] : memref<256x64xf32, #tpu.memory_space<vmem>>, vector<1x64xf32>
      %convert_element_type3A_463 = arith.truncf %get3A_462 : vector<1x64xf32> to vector<1x64xbf16>
      %swap3A_464 = arith.constant 30 : index
      %swap3A_465 = arith.constant 0 : index
      %swap3A_466 = vector.load %arg7[%swap3A_464, %swap3A_465] : memref<64x128xbf16, #tpu.memory_space<vmem>>, vector<1x64xbf16>
      tpu.vector_store %arg7[%swap3A_464, %swap3A_465], %convert_element_type3A_463 {strides = array<i32>} : memref<64x128xbf16, #tpu.memory_space<vmem>>, vector<1x64xbf16>,
      %swap3A_467 = arith.constant 62 : index
      %swap3A_468 = arith.constant 64 : index
      %swap3A_469 = vector.load %arg7[%swap3A_467, %swap3A_468] : memref<64x128xbf16, #tpu.memory_space<vmem>>, vector<1x64xbf16>
      tpu.vector_store %arg7[%swap3A_467, %swap3A_468], %convert_element_type3A_463 {strides = array<i32>} : memref<64x128xbf16, #tpu.memory_space<vmem>>, vector<1x64xbf16>,
      %get3A_470 = arith.constant 31 : index
      %get3A_471 = memref.load %arg1[%get3A_470] : memref<32xi32, #tpu.memory_space<smem>>
      %add3A_472 = arith.constant 248 : i32
      %add3A_473 = arith.addi %add3A_472, %get3A_471 : i32
      %get3A_474 = arith.index_cast %add3A_473 : i32 to index
      %get3A_475 = arith.constant 0 : index
      %get3A_476 = vector.load %arg2[%get3A_474, %get3A_475] : memref<256x64xf32, #tpu.memory_space<vmem>>, vector<1x64xf32>
      %convert_element_type3A_477 = arith.truncf %get3A_476 : vector<1x64xf32> to vector<1x64xbf16>
      %swap3A_478 = arith.constant 31 : index
      %swap3A_479 = arith.constant 0 : index
      %swap3A_480 = vector.load %arg7[%swap3A_478, %swap3A_479] : memref<64x128xbf16, #tpu.memory_space<vmem>>, vector<1x64xbf16>
      tpu.vector_store %arg7[%swap3A_478, %swap3A_479], %convert_element_type3A_477 {strides = array<i32>} : memref<64x128xbf16, #tpu.memory_space<vmem>>, vector<1x64xbf16>,
      %swap3A_481 = arith.constant 63 : index
      %swap3A_482 = arith.constant 64 : index
      %swap3A_483 = vector.load %arg7[%swap3A_481, %swap3A_482] : memref<64x128xbf16, #tpu.memory_space<vmem>>, vector<1x64xbf16>
      tpu.vector_store %arg7[%swap3A_481, %swap3A_482], %convert_element_type3A_477 {strides = array<i32>} : memref<64x128xbf16, #tpu.memory_space<vmem>>, vector<1x64xbf16>,
    } else {
    }
    %get3A = arith.constant 0 : index
    %get3A_2 = arith.constant 0 : index
    %get3A_3 = vector.load %arg3[%get3A, %get3A_2] : memref<8192x64xbf16, #tpu.memory_space<vmem>>, vector<8192x64xbf16>
    %get3A_4 = arith.constant 0 : index
    %get3A_5 = arith.constant 0 : index
    %get3A_6 = vector.load %arg4[%get3A_4, %get3A_5] : memref<8192x64xbf16, #tpu.memory_space<vmem>>, vector<8192x64xbf16>
    %concatenate3A = tpu.concatenate %get3A_3, %get3A_6 in 1 : vector<8192x64xbf16>, vector<8192x64xbf16> -> vector<8192x128xbf16>
    %get3A_7 = arith.constant 0 : index
    %get3A_8 = arith.constant 0 : index
    %get3A_9 = vector.load %arg7[%get3A_7, %get3A_8] : memref<64x128xbf16, #tpu.memory_space<vmem>>, vector<64x128xbf16>
    %dot_general3A = arith.constant dense<0.000000e+00> : vector<64x8192xf32>
    %dot_general3A_10 = tpu.matmul %get3A_9, %concatenate3A, %dot_general3A {dimension_numbers = #tpu.dot_dimension_numbers<[1], [1], [0], [0], [0, 0, 1, 0], [], []>, transpose_lhs_hint = false} : vector<64x128xbf16>, vector<8192x128xbf16>, vector<64x8192xf32> -> vector<64x8192xf32>
    %slice3A = vector.extract_strided_slice %dot_general3A_10 {offsets = [0, 0], sizes = [32, 8192], strides = [1, 1]} : vector<64x8192xf32> to vector<32x8192xf32>
    %get3A_11 = arith.constant 0 : index
    %get3A_12 = vector.load %arg5[%get3A_11] : memref<16384xf32, #tpu.memory_space<vmem>>, vector<8192xf32>
    %broadcast_in_dim3A = vector.shape_cast %get3A_12 : vector<8192xf32> to vector<1x8192xf32>
    %add3A = vector.broadcast %broadcast_in_dim3A : vector<1x8192xf32> to vector<32x8192xf32>
    %add3A_13 = arith.addf %slice3A, %add3A : vector<32x8192xf32>
    %swap3A = arith.constant 0 : index
    %swap3A_14 = arith.constant 0 : index
    %swap3A_15 = arith.constant 0 : index
    %swap3A_16 = vector.load %arg6[%swap3A, %swap3A_14, %swap3A_15] : memref<32x1x16384xf32, #tpu.memory_space<vmem>>, vector<32x1x8192xf32>
    %swap3A_17 = vector.shape_cast %swap3A_16 : vector<32x1x8192xf32> to vector<32x8192xf32>
    %swap3A_18 = vector.shape_cast %add3A_13 : vector<32x8192xf32> to vector<32x1x8192xf32>
    tpu.vector_store %arg6[%swap3A, %swap3A_14, %swap3A_15], %swap3A_18 {strides = array<i32>} : memref<32x1x16384xf32, #tpu.memory_space<vmem>>, vector<32x1x8192xf32>,
    %slice3A_19 = vector.extract_strided_slice %dot_general3A_10 {offsets = [32, 0], sizes = [32, 8192], strides = [1, 1]} : vector<64x8192xf32> to vector<32x8192xf32>
    %get3A_20 = arith.constant 8192 : index
    %get3A_21 = vector.load %arg5[%get3A_20] : memref<16384xf32, #tpu.memory_space<vmem>>, vector<8192xf32>
    %broadcast_in_dim3A_22 = vector.shape_cast %get3A_21 : vector<8192xf32> to vector<1x8192xf32>
    %add3A_23 = vector.broadcast %broadcast_in_dim3A_22 : vector<1x8192xf32> to vector<32x8192xf32>
    %add3A_24 = arith.addf %slice3A_19, %add3A_23 : vector<32x8192xf32>
    %swap3A_25 = arith.constant 0 : index
    %swap3A_26 = arith.constant 0 : index
    %swap3A_27 = arith.constant 8192 : index
    %swap3A_28 = vector.load %arg6[%swap3A_25, %swap3A_26, %swap3A_27] : memref<32x1x16384xf32, #tpu.memory_space<vmem>>, vector<32x1x8192xf32>
    %swap3A_29 = vector.shape_cast %swap3A_28 : vector<32x1x8192xf32> to vector<32x8192xf32>
    %swap3A_30 = vector.shape_cast %add3A_24 : vector<32x8192xf32> to vector<32x1x8192xf32>
    tpu.vector_store %arg6[%swap3A_25, %swap3A_26, %swap3A_27], %swap3A_30 {strides = array<i32>} : memref<32x1x16384xf32, #tpu.memory_space<vmem>>, vector<32x1x8192xf32>,
    return
  }
  func.func @transform_0(%arg0: i32, %arg1: memref<32xi32, #tpu.memory_space<smem>>) -> (i32, i32) {
    %c0_i32 = arith.constant 0 : i32
    %c0_i32_0 = arith.constant 0 : i32
    %c0_i32_1 = arith.constant 0 : i32
    return %c0_i32, %c0_i32_0 : i32, i32
  }
  func.func @transform_1(%arg0: i32, %arg1: memref<32xi32, #tpu.memory_space<smem>>) -> (i32, i32) {
    %mul3A = arith.constant 2 : i32
    %mul3A_0 = arith.muli %mul3A, %arg0 : i32
    %c0_i32 = arith.constant 0 : i32
    %c0_i32_1 = arith.constant 0 : i32
    return %mul3A_0, %c0_i32 : i32, i32
  }
  func.func @transform_2(%arg0: i32, %arg1: memref<32xi32, #tpu.memory_space<smem>>) -> (i32, i32) {
    %mul3A = arith.constant 2 : i32
    %mul3A_0 = arith.muli %mul3A, %arg0 : i32
    %add3A = arith.constant 1 : i32
    %add3A_1 = arith.addi %mul3A_0, %add3A : i32
    %min3A = arith.constant 122 : i32
    %min3A_2 = arith.minsi %add3A_1, %min3A : i32
    %c0_i32 = arith.constant 0 : i32
    %c0_i32_3 = arith.constant 0 : i32
    return %min3A_2, %c0_i32 : i32, i32
  }
  func.func @transform_3(%arg0: i32, %arg1: memref<32xi32, #tpu.memory_space<smem>>) -> i32 {
    %c0_i32 = arith.constant 0 : i32
    return %arg0 : i32
  }
  func.func @transform_4(%arg0: i32, %arg1: memref<32xi32, #tpu.memory_space<smem>>) -> (i32, i32, i32) {
    %c0_i32 = arith.constant 0 : i32
    %c0_i32_0 = arith.constant 0 : i32
    %c0_i32_1 = arith.constant 0 : i32
    return %c0_i32, %c0_i32_0, %arg0 : i32, i32, i32
  }
}

</mosaic_0001>

<sc_bundles>
// kernel: kernel.4.cloned.1.call-start
scs
__scs_entry_jumppad:
0x0: {  	(pc) =	sbr.rel $0x88, $3  }
0x1: {  	(tag) =	ssettag $0x0;
	lr =	simm.s32 $0x1  }
0x2: {  	[smem:$0x3F9D] =	sst lr;
	_ =	strace $0xD0000000  }
0x3: {  	_ = 	snop  }
0x4: {  	_ = 	snop  }
0x5: {  	_ = 	snop  }
0x6: {  	_ = 	snop  }
0x7: {  	_ = 	snop  }
__scs_overlays_trampoline_lowered:
0x8: {  	[smem:$0x3FAC] =	sst s0  }
0x9: {  	[smem:$0x3FAD] =	sst s1  }
0xa: {  	[smem:$0x3FAE] =	sst s2  }
0xb: {  	[smem:$0x3FAF] =	sst s3  }
0xc: {  	[smem:$0x3FB0] =	sst s4  }
0xd: {  	[smem:$0x3FB1] =	sst s5  }
0xe: {  	[smem:$0x3FB2] =	sst s6  }
0xf: {  	[smem:$0x3FB3] =	sst s7  }
0x10: {  	[smem:$0x3FB4] =	sst s8  }
0x11: {  	[smem:$0x3FB5] =	sst s9;
	s0 =	simm.s32 @!p0 $0x0  }
0x12: {  	s1 =	sld [smem:$0x3F9B];
	s0 =	simm.s32 @p0 $0x1  }
0x13: {  	[smem:$0x3FB6] =	sst s0;
	s0 =	simm.s32 @!p1 $0x0  }
0x14: {  	s2 =	sld [smem:$0x3F9A];
	s0 =	simm.s32 @p1 $0x1  }
0x15: {  	[smem:$0x3FB7] =	sst s0;
	s0 =	simm.s32 @!p2 $0x0  }
0x16: {  	s3 =	sld [smem:$0x3FDB];
	s0 =	simm.s32 @p2 $0x1  }
0x17: {  	s4 =	simm.s32 $0x1BF5;
	[smem:$0x3FB9] =	sst s0  }
0x18: {  	s0 =	sld [smem:$0x3F9C];
	_ =	swait.ge [sflag:s4], $0x0  }
0x19: {  	s7 =	sld [smem:$0x3F9D]  }
0x1a: {  	s8 =	sadd.s32 $0xFFFFE003, lr  }
0x1b: {  	s9 =	sadd.s32 $0xFFFFFEF7, lr;
	s5 =	simm.s32 $0xFFFFFFFF;
	p2 =	slt.u32 s8, $0xFFFFF086  }
0x1c: {  	p1 =	slt.u32 s9, $0xF7A;
	s5 =	simm.s32 @!p2 $0x0  }
0x1d: {  	s5 =	simm.s32 @p1 $0x1;
	p0 =	seq.s32 s7, s2  }
0x1e: {  	s7 =	smul.u32 @!p0 $0xF7A, s2;
	p2 =	seq.s32 @!p0 s5, $0x0  }
0x1f: {  	s9 =	smul.u32 $0xF7A, s1;
	s8 =	simm.s32 @!p0 $0x1BF5;
	p2 =	por !p2, p0  }
0x20: {  	[sflag:s8] =	ssyncset.s32 @!p0 $0xFFFFF086;
	s6 =	sadd.s32 @!p0 s3, s7;
	s7 =	simm.s32 @!p0 $0x108  }
0x21: {  	s3 =	sadd.s32 s3, s9;
	s6 =	sadd.s32 @!p0 $0x88, s6;
	s7 =	simm.s32 @p2 $0x1082  }
0x22: {  	[simem:s7], [sflag:s8] =	dma.local @!p0 [hbm:s6], $0xF7A  }
0x23: {  	s9 =	sor.u32 $0xD0000000, s2;
	s6 =	simm.s32 $0x108;
	_ =	swait.ge @!p0 [sflag:s8], $0x0  }
0x24: {  	s3 =	sadd.s32 $0x88, s3;
	s6 =	simm.s32 @!p1 $0x1082;
	[sflag:s4] =	ssyncset.s32 $0xFFFFF086  }
0x25: {  	[simem:s6], [sflag:s4] =	dma.local [hbm:s3], $0xF7A  }
0x26: {  	[smem:$0x3F9D] =	sst s1;
	(tag) =	ssettag s2;
	_ =	strace s9  }
0x27: {  	s1 =	sld [smem:$0x3FAD]  }
0x28: {  	s2 =	sld [smem:$0x3FAE]  }
0x29: {  	s4 =	sld [smem:$0x3FB0]  }
0x2a: {  	p0 =	seq.s32 s5, $0x0;
	s5 =	sld [smem:$0x3FB1]  }
0x2b: {  	s6 =	sld [smem:$0x3FB2]  }
0x2c: {  	s7 =	sld [smem:$0x3FB3]  }
0x2d: {  	s3 =	simm.s32 $0x108;
	s8 =	sld [smem:$0x3FB4]  }
0x2e: {  	s3 =	simm.s32 @!p0 $0x1082;
	s9 =	sld [smem:$0x3FB5]  }
0x2f: {  	lr =	sadd.s32 s0, s3;
	s0 =	sld [smem:$0x3FAC]  }
0x30: {  	s3 =	sld [smem:$0x3FAF]  }
0x31: {  	[smem:$0x3FB8] =	sst s10  }
0x32: {  	s10 =	sld [smem:$0x3FB6];
	_ =	sdelay $0x3  }
0x33: {  	p0 =	seq.s32 s10, $0x1;
	s10 =	sld [smem:$0x3FB8];
	_ =	sdelay $0x3  }
0x34: {  	[smem:$0x3FB8] =	sst s10  }
0x35: {  	s10 =	sld [smem:$0x3FB7];
	_ =	sdelay $0x3  }
0x36: {  	p1 =	seq.s32 s10, $0x1;
	s10 =	sld [smem:$0x3FB8];
	_ =	sdelay $0x3  }
0x37: {  	[smem:$0x3FB8] =	sst s10  }
0x38: {  	s10 =	sld [smem:$0x3FB9]  }
0x39: {  	_ = 	snop;
	(pc) =	sbr.ind lr, $3  }
0x3a: {  	_ = 	snop  }
0x3b: {  	_ = 	snop  }
0x3c: {  	p2 =	seq.s32 s10, $0x1;
	s10 =	sld [smem:$0x3FB8]  }
0x3d: {  	_ =	shalt  }
0x3e: {  	_ =	shalt  }
0x3f: {  	_ =	shalt  }
0x40: {  	_ =	shalt  }
0x41: {  	_ =	shalt  }
0x42: {  	_ =	shalt  }
0x43: {  	_ =	shalt  }
0x44: {  	_ =	shalt  }
0x45: {  	_ =	shalt  }
0x46: {  	_ =	shalt  }
0x47: {  	_ =	shalt  }
0x48: {  	_ =	shalt  }
0x49: {  	_ =	shalt  }
0x4a: {  	_ =	shalt  }
0x4b: {  	_ =	shalt  }
0x4c: {  	_ =	shalt  }
0x4d: {  	_ =	shalt  }
0x4e: {  	_ =	shalt  }
0x4f: {  	_ =	shalt  }
0x50: {  	_ =	shalt  }
0x51: {  	_ =	shalt  }
0x52: {  	_ =	shalt  }
0x53: {  	_ =	shalt  }
0x54: {  	_ =	shalt  }
0x55: {  	_ =	shalt  }
0x56: {  	_ =	shalt  }
0x57: {  	_ =	shalt  }
0x58: {  	_ =	shalt  }
0x59: {  	_ =	shalt  }
0x5a: {  	_ =	shalt  }
0x5b: {  	_ =	shalt  }
0x5c: {  	_ =	shalt  }
0x5d: {  	_ =	shalt  }
0x5e: {  	_ =	shalt  }
0x5f: {  	_ =	shalt  }
0x60: {  	_ =	shalt  }
0x61: {  	_ =	shalt  }
0x62: {  	_ =	shalt  }
0x63: {  	_ =	shalt  }
0x64: {  	_ =	shalt  }
0x65: {  	_ =	shalt  }
0x66: {  	_ =	shalt  }
0x67: {  	_ =	shalt  }
0x68: {  	_ =	shalt  }
0x69: {  	_ =	shalt  }
0x6a: {  	_ =	shalt  }
0x6b: {  	_ =	shalt  }
0x6c: {  	_ =	shalt  }
0x6d: {  	_ =	shalt  }
0x6e: {  	_ =	shalt  }
0x6f: {  	_ =	shalt  }
0x70: {  	_ =	shalt  }
0x71: {  	_ =	shalt  }
0x72: {  	_ =	shalt  }
0x73: {  	_ =	shalt  }
0x74: {  	_ =	shalt  }
0x75: {  	_ =	shalt  }
0x76: {  	_ =	shalt  }
0x77: {  	_ =	shalt  }
0x78: {  	_ =	shalt  }
0x79: {  	_ =	shalt  }
0x7a: {  	_ =	shalt  }
0x7b: {  	_ =	shalt  }
0x7c: {  	_ =	shalt  }
0x7d: {  	_ =	shalt  }
0x7e: {  	_ =	shalt  }
0x7f: {  	_ =	shalt  }
0x80: {  	_ =	shalt  }
0x81: {  	_ =	shalt  }
0x82: {  	_ =	shalt  }
0x83: {  	_ =	shalt  }
0x84: {  	_ =	shalt  }
0x85: {  	_ =	shalt  }
0x86: {  	_ =	shalt  }
0x87: {  	_ =	shalt  }
.Lfunc_end0:
.L_simem_size_0:
called_computation_lowered:
.L_overlay_start_0:
0x88: {  	s2 =	sld [smem:$0x3FD9]  }
0x89: {  	s3 =	sld [smem:$0x3FFE];
	_ =	sdelay $0x1  }
0x8a: {  	s1 =	srdreg.scid  }
0x8b: {  	s0 =	sand.u32 $0x1, s1  }
0x8c: {  	s16 =	sshll.u32 s0, $0xA;
	s2 =	sadd.s32 s3, s2  }
0x8d: {  	s2 =	sadd.s32 s2, s16  }
0x8e: {  	[smem:$0x3FC4] =	sst s2  }
0x8f: {  	_ = 	snop  }
0x90: {  	(tm) =	ssettm $0x1  }
0x91: {  	s17 =	sld [smem:$0x3FFB];
	_ =	sdelay $0x3  }
0x92: {  	_ =	strace s17  }
0x93: {  	s2 =	sld [smem:$0x3FFC];
	_ =	sdelay $0x3  }
0x94: {  	_ =	strace s2  }
0x95: {  	s2 =	sld [smem:$0x3FFD];
	_ =	sdelay $0x3  }
0x96: {  	_ =	strace s2  }
0x97: {  	_ =	strace $0x8FFFFFFF  }
0x98: {  	s18 =	sld [smem:$0x3FDB];
	_ =	sdelay $0x1  }
0x99: {  	s19 =	simm.s32 $_scs_section_size  }
0x9a: {  	s4 =	simm.s32 $_size__tile_overlayer_lowered;
	s5 =	simm.s32 $_tile_overlayer_lowered  }
0x9b: {  	s22 =	simm.s32 $0x1BFF;
	s21 =	sshll.u32 s5, $0x1;
	s2 =	sadd.s32 s19, s18  }
0x9c: {  	s6 =	simm.s32 $0x0;
	s20 =	sshll.u32 s4, $0x1;
	s4 =	sadd.s32 s21, s2  }
0x9d: {  	[timem:s6], [sflag:s22] =	dma.local [hbm:s4], s20  }
0x9e: {  	_ =	swait.ge [sflag:s22], s20  }
0x9f: {  	s3 =	ssub.s32 $0x0, s20;
	[sflag:s22] =	ssyncset.done $0x0  }
0xa0: {  	[sflag:s22] =	ssyncadd.s32 s3;
	_ =	sdelay $0x1  }
0xa1: {  	s23 =	simm.s32 $0x1B8B  }
0xa2: {  	_ =	swait.ge [sflag:s23], $0x1  }
0xa3: {  	[sflag:s23] =	ssyncset.done $0x0  }
0xa4: {  	s25 =	simm.s32 $0x1B8E;
	s24 =	sld [smem:$0x3FFE];
	[sflag:s23] =	ssyncadd.s32 $0xFFFFFFFF  }
0xa5: {  	s26 =	simm.s32 $execute0_lowered;
	[smem:$0x3FD2] =	sst s25  }
0xa6: {  	s4 =	sshll.u32 s26, $0x1;
	_ =	strace $0x80000046;
	[dreg:$0x1] =	wrdreg $0xFFFFFFFF  }
0xa7: {  	s28 =	simm.s32 $_size_execute0_lowered;
	s2 =	sadd.s32 s2, s4;
	[dreg:$0x0] =	wrdreg $0x0  }
0xa8: {  	s4 =	sshll.u32 s28, $0x1;
	[dreg:$0x2] =	wrdreg s2  }
0xa9: {  	[dreg:$0x3] =	wrdreg s4  }
0xaa: {  	[dreg:$0x4] =	wrdreg $0xC0  }
0xab: {  	_ =	task [dreg:s6], $0x5FFFF  }
0xac: {  	[dreg:$0x1] =	wrdreg $0xFFFFFFFF  }
0xad: {  	[dreg:$0x0] =	wrdreg $0x60  }
0xae: {  	[dreg:$0x2] =	wrdreg s24  }
0xaf: {  	[dreg:$0x3] =	wrdreg $0x9  }
0xb0: {  	_ =	task.clear_ibuf [dreg:s6], $0x4FFFF;
	_ =	strace $0x90000046  }
0xb1: {  	s29 =	simm.s32 $0x9;
	_ =	strace $0x80000048  }
0xb2: {  	_ =	swait.ge [sflag:s29], $0x1  }
0xb3: {  	[sflag:s29] =	ssyncadd.s32 $0xFFFFFFFF  }
0xb4: {  	_ =	strace $0x90000048  }
0xb5: {  	_ =	sfence  }
0xb6: {  	s30 =	sld [smem:$0x0];
	_ =	sdelay $0x2  }
0xb7: {  	s31 =	sshll.u32 s1, $0xD;
	s1 =	sshrl.u32 s1, $0x2  }
0xb8: {  	s3 =	sand.u32 $0x4000, s31;
	s1 =	sadd.s32 s1, s30  }
0xb9: {  	s0 =	sor.u32 s3, s0;
	s1 =	sshll.u32 s1, $0x11  }
0xba: {  	s0 =	sor.u32 s1, s0  }
0xbb: {  	s0 =	sadd.s32 $0x8F2B, s0  }
0xbc: {  	[sflag:s0] =	ssyncadd.remote.s32 $0x1  }
0xbd: {  	_ =	sfence.sel $0xFFFF  }
0xbe: {  	[dreg:$0x0] =	wrdreg $0xFFFFFFFF;
	(pc) =	sbr.abs _section_cstart, $3  }
0xbf: {  	[dreg:$0x1] =	wrdreg $0xFFFFFFFF  }
0xc0: {  	_ =	task.clear_ibuf [dreg:s6], $0x2FFFF;
	_ =	strace $0x9FFFFFFF  }
0xc1: {  	(tm) =	ssettm $0x7FFFFFFF  }
tec
execute0_lowered:
.L_overlay_start_1:
0x0: {  	(tag) =	ssettag $0x1  }
0x1: {  	s1 =	srdreg.scid  }
0x2: {  	s0 =	stileid.u32;
	s6 =	sand.u32 $0x1, s1  }
0x3: {  	s29 =	sshll.u32 s0, $0x8;
	s2 =	sshll.u32 s6, $0x7  }
0x4: {  	s8 =	rddreg [dreg:$0x0];
	s9 =	sor.u32 s2, s29  }
0x5: {  	s1 =	rddreg [dreg:$0x1];
	s2 =	simm.s32 $0x0;
	s3 =	sshrl.u32 s9, $0x3  }
0x6: {  	[smem:$0x7FF] =	sst s2;
	s3 =	sadd.s32 s3, s8  }
0x7: {  	_ =	strace $0x80000047;
	s4 =	sadd.s32 $0xF43000, s3;
	s3 =	simm.s32 $0x2  }
0x8: {  	[tilespmem:s2], [sflag:$0x2] =	stream.linear.gather [hbm4b:s4+s2], $0x80, $0x38;
	[tilespmem:$0x480] =	vst v63  }
0x9: {  	_ =	swait.ge [sflag:s3], $0x80  }
0xa: {  	[sflag:s3] =	ssyncset.done $0x0  }
0xb: {  	[sflag:s3] =	ssyncadd.s32 $0xFFFFFF80  }
0xc: {  	v0 =	vld [tilespmem:$0x0];
	_ =	sdelay $0x4  }
0xd: {  	(v2sf) =	vpush v0, $0x0;
	_ =	sdelay $0xd  }
0xe: {  	s10 =	ssub.s32 $0x2, s6  }
0xf: {  	s30 =	sshrl.u32 s10, $0x1;
	s5 =	spop (v2sf)  }
0x10: {  	s6 =	simm.s32 $0x80;
	s31 =	ssub.s32 s10, s30;
	s7 =	sshll.u32 s5, $0x7  }
0x11: {  	s5 =	sadd.s32 $0xC00, s8;
	s8 =	sadd.s32 s9, s8;
	s11 =	sand.u32 $0x1FFFFF80, s7  }
0x12: {  	s9 =	smax.u32 s31, $0x1;
	s7 =	simm.s32 $0x1;
	s11 =	sadd.s32 s5, s11  }
0x13: {  	[tilespmem:s6], [sflag:$0x1] =	stream.linear.gather [hbm4b:s11+s2], $0x400, $0x38;
	[tilespmem:$0x480] =	vst v63  }
0x14: {  	p0 =	sne.s32 s9, $0x1;
	_ =	swait.ge [sflag:s7], $0x400  }
.Ltmp0:
0x15: {  	[sflag:s7] =	ssyncset.done $0x0;
	(pc) =	sbr.rel @!p0 .LBB2_2-.Ltmp0, $4  }
0x16: {  	s8 =	sadd.s32 $0xF43200, s8;
	[sflag:s7] =	ssyncadd.s32 $0xFFFFFC00  }
0x17: {  	[hbm4b:s8+s2] =	stream.linear.scatter [tilespmem:s6], [sflag:$0x2], $0x400, $0x38;
	[tilespmem:$0x480] =	vst v63  }
0x18: {  	_ =	swait.ge [sflag:s3], $0x400  }
0x19: {  	s9 =	sadd.s32 $0xFFFFFFFF, s9;
	[sflag:s3] =	ssyncset.done $0x0  }
.LBB2_1:
0x1a: {  	p0 =	sne.s32 s9, $0x1;
	s9 =	sadd.s32 $0xFFFFFFFF, s9;
	[sflag:s3] =	ssyncadd.s32 $0xFFFFFC00  }
0x1b: {  	[tilespmem:s2], [sflag:$0x2] =	stream.linear.gather [hbm4b:s4+s2], $0x80, $0x38;
	[tilespmem:$0x480] =	vst v63  }
0x1c: {  	_ =	swait.ge [sflag:s3], $0x80  }
0x1d: {  	[sflag:s3] =	ssyncset.done $0x0  }
0x1e: {  	[sflag:s3] =	ssyncadd.s32 $0xFFFFFF80  }
0x1f: {  	v0 =	vld [tilespmem:$0x0];
	_ =	sdelay $0x4  }
0x20: {  	(v2sf) =	vpush v0, $0x0;
	_ =	sdelay $0xe  }
0x21: {  	s10 =	spop (v2sf)  }
0x22: {  	s10 =	sshll.u32 s10, $0x7  }
0x23: {  	s10 =	sand.u32 $0x1FFFFF80, s10  }
0x24: {  	s10 =	sadd.s32 s5, s10  }
0x25: {  	[tilespmem:s6], [sflag:$0x1] =	stream.linear.gather [hbm4b:s10+s2], $0x400, $0x38;
	[tilespmem:$0x480] =	vst v63  }
0x26: {  	_ =	swait.ge [sflag:s7], $0x400  }
.Ltmp1:
0x27: {  	[sflag:s7] =	ssyncset.done $0x0;
	(pc) =	sbr.rel @p0 .LBB2_1-.Ltmp1, $4  }
0x28: {  	[sflag:s7] =	ssyncadd.s32 $0xFFFFFC00  }
0x29: {  	[hbm4b:s8+s2] =	stream.linear.scatter [tilespmem:s6], [sflag:$0x2], $0x400, $0x38;
	[tilespmem:$0x480] =	vst v63  }
0x2a: {  	_ =	swait.ge [sflag:s3], $0x400  }
0x2b: {  	[sflag:s3] =	ssyncset.done $0x0  }
.LBB2_2:
0x2c: {  	[sflag:s3] =	ssyncadd.s32 $0xFFFFFC00  }
0x2d: {  	_ =	sfence.sel $0x180000  }
0x2e: {  	[bflag:$0x0] =	sbarrier.arrive $0xFFFF  }
0x2f: {  	p0 =	sne.s32 s0, $0x0;
	_ =	strace $0x90000047  }
0x30: {  	s0 =	sadd.s32 @!p0 $0x100000, s1;
	[bflag:$0x2] =	sbarrier.arrive $0xFFFF  }
0x31: {  	[sflag:s0] =	ssyncadd.tile.s32 @!p0 $0x1;
	_ =	shalt  }
.Lfunc_end2:
_tile_overlayer_lowered:
.L_overlay_start_2:
0x32: {  	(tag) =	ssettag $0x2  }
0x33: {  	s0 =	rddreg [dreg:$0x0];
	s2 =	stileid.u32  }
0x34: {  	s1 =	rddreg [dreg:$0x1];
	p0 =	sne.s32 s2, $0x0  }
0x35: {  	s3 =	rddreg [dreg:$0x2];
	[bflag:$0x3] =	sbarrier.arrive $0xFFFF;
	s2 =	simm.s32 @!p0 $0x1C02  }
0x36: {  	[timem:s3], [sflag:s2] =	dma.local @!p0 [hbm:s0], s1  }
0x37: {  	s0 =	simm.s32 @!p0 $0x2  }
0x38: {  	_ =	swait.ge @!p0 [sflag:s0], s1  }
0x39: {  	s1 =	ssub.s32 @!p0 $0x0, s1;
	[sflag:s0] =	ssyncset.done @!p0 $0x0  }
0x3a: {  	[sflag:s0] =	ssyncadd.s32 @!p0 s1  }
0x3b: {  	[bflag:$0x3] =	sbarrier.arrive $0xFFFF  }
0x3c: {  	_ =	shalt  }

</sc_bundles>
